<compile_context>
chip_gen: v7x
topology: tpu7x:2x2x1
jax: 0.10.2.dev20260603
libtpu: 0.0.44.dev20260713+nightly
codegen_flags: <defaults>
</compile_context>

<pallas_src>
import functools

import jax
import jax.numpy as jnp
from jax import lax
from jax.experimental import pallas as pl
from jax.experimental.pallas import tpu as pltpu
from jax.experimental.pallas import tpu_sc as plsc



def _node_body(x_ref, w_ref, out_ref):
    d = x_ref.shape[1]
    out_ref[0:1] = lax.dot_general(
        w_ref[:, :d], x_ref[...],
        (((1,), (1,)), ((), ())),
        preferred_element_type=jnp.float32,
    )
    out_ref[1:2] = lax.dot_general(
        w_ref[:, d : 2 * d], x_ref[...],
        (((1,), (1,)), ((), ())),
        preferred_element_type=jnp.float32,
    )


def _node_scores(x, W):
    n, d = x.shape
    return pl.pallas_call(
        _node_body,
        out_shape=jax.ShapeDtypeStruct((2, n), jnp.float32),
    )(x, W)



def _make_gather(n_nodes, n_edges):
    info = plsc.get_sparse_core_info()
    nc, ns = info.num_cores, info.num_subcores
    nc = 1
    nw = nc * ns
    assert n_edges % (nw * 16) == 0
    chunk = n_edges // nw
    mesh = plsc.VectorSubcoreMesh(
        core_axis_name="c", subcore_axis_name="s", num_cores=1)

    @functools.partial(
        pl.kernel,
        mesh=mesh,
        out_type=jax.ShapeDtypeStruct((n_edges,), jnp.float32),
        compiler_params=pltpu.CompilerParams(needs_layout_passes=False),
        cost_estimate=pl.CostEstimate(
            flops=2 * n_edges,
            transcendentals=0,
            bytes_accessed=16 * n_edges,
        ),
        scratch_types=[
            pltpu.VMEM((chunk,), jnp.int32),
            pltpu.VMEM((chunk,), jnp.int32),
            pltpu.VMEM((2 * n_nodes,), jnp.float32),
            pltpu.VMEM((chunk,), jnp.float32),
            pltpu.SemaphoreType.DMA,
            pltpu.SemaphoreType.DMA,
            pltpu.SemaphoreType.DMA,
        ],
    )
    def gather_kernel(s2_hbm, eidx_hbm, out_hbm, src_v, dst_v, tbl_v,
                      out_v, sem0, sem1, sem2):
        wid = lax.axis_index("s") * nc + lax.axis_index("c")
        base = wid * chunk
        cp0 = pltpu.async_copy(eidx_hbm.at[pl.ds(base, chunk)], src_v, sem0)
        cp1 = pltpu.async_copy(
            eidx_hbm.at[pl.ds(n_edges + base, chunk)], dst_v, sem1)
        cp2 = pltpu.async_copy(s2_hbm, tbl_v, sem2)
        cp0.wait()
        cp1.wait()
        cp2.wait()

        @plsc.parallel_loop(0, chunk, 16, unroll=8)
        def body(i):
            sv = src_v[pl.ds(i, 16)]
            dv = dst_v[pl.ds(i, 16)]
            a = plsc.load_gather(tbl_v, [sv])
            bb = plsc.load_gather(tbl_v, [dv + n_nodes])
            out_v[pl.ds(i, 16)] = a + bb

        pltpu.sync_copy(out_v, out_hbm.at[pl.ds(base, chunk)])

    return gather_kernel



def _edge_body(e_ref, w_ref, b_ref, out_ref):
    d = e_ref.shape[1]
    s = lax.dot_general(
        w_ref[:, 2 * d :], e_ref[...],
        (((1,), (1,)), ((), ())),
        preferred_element_type=jnp.float32,
    )
    out_ref[0] = s + b_ref[0]


def _edge_scores(e, we, b, nb, be):
    n_edges, d = e.shape
    assert nb * be == n_edges
    return pl.pallas_call(
        _edge_body,
        grid=(nb,),
        in_specs=[
            pl.BlockSpec((be, d), lambda i: (i, 0)),
            pl.BlockSpec((1, 3 * d), lambda i: (0, 0)),
            pl.BlockSpec(memory_space=pltpu.SMEM),
        ],
        out_specs=pl.BlockSpec((1, 1, be), lambda i: (i, 0, 0)),
        out_shape=jax.ShapeDtypeStruct((nb, 1, be), jnp.float32),
    )(e, we, b)


def _add_body(a_ref, b_ref, out_ref):
    out_ref[...] = a_ref[...] + b_ref[...]


def _final_add(a, g2):
    nb, _, be = a.shape
    return pl.pallas_call(
        _add_body,
        grid=(nb,),
        in_specs=[
            pl.BlockSpec((1, 1, be), lambda i: (i, 0, 0)),
            pl.BlockSpec((1, 1, be), lambda i: (i, 0, 0)),
        ],
        out_specs=pl.BlockSpec((1, 1, be), lambda i: (i, 0, 0)),
        out_shape=jax.ShapeDtypeStruct((nb, 1, be), jnp.float32),
    )(a, g2)


def kernel(x, edge_index, e, W, b):
    n, d = x.shape
    n_edges = e.shape[0]
    be = 32000
    nb = n_edges // be
    s2 = _node_scores(x, W)
    dot_e = _edge_scores(e, W, b, nb, be)
    g = _make_gather(n, n_edges)(
        s2.reshape(2 * n), edge_index.reshape(2 * n_edges)
    )
    out = _final_add(dot_e, g.reshape(nb, 1, be))
    return out.reshape(n_edges, 1)

# --- scband reference (transcript-rebuilt; emitter-appended) ---
"""Pipeline reference for scband-score-predictor-2267742732805 (READ-ONLY COPY).

The authoritative reference and input builder live on the scoring server;
editing this copy changes nothing except your own understanding.
"""

import jax, jax.numpy as jnp
import numpy as np

N = 10000
E = 320000
D = 128

def setup_inputs(seed: int = 0) -> dict:
    key = jax.random.key(seed)
    k1, k2, k3, k4, k5 = jax.random.split(key, 5)
    x = jax.random.normal(k1, (N, D), dtype=jnp.float32)
    e = jax.random.normal(k2, (E, D), dtype=jnp.float32)
    edge_index = jax.random.randint(k3, (2, E), 0, N, dtype=jnp.int32)
    # Linear(3*D, 1): weight [1, 3*D], bias [1]
    W = jax.random.normal(k4, (1, 3 * D), dtype=jnp.float32) * 0.05
    b = jax.random.normal(k5, (1,), dtype=jnp.float32) * 0.05
    return {"x": x, "edge_index": edge_index, "e": e, "W": W, "b": b}

def reference(x, edge_index, e, W, b):
    # DGL apply_edges: per-edge concat(src feature, dst feature, edge feature) -> Linear -> score
    src = edge_index[0]
    dst = edge_index[1]
    x_src = jnp.take(x, src, axis=0)   # gather [E, D]
    x_dst = jnp.take(x, dst, axis=0)   # gather [E, D]
    data = jnp.concatenate([x_src, x_dst, e], axis=1)  # [E, 3D]
    score = data @ W.T + b             # [E, 1]
    return score

if __name__ == "__main__":
    import jax
    _d = setup_inputs()
    print(jax.jit(kernel)(*tuple(_d.values())))

</pallas_src>

<mosaic_0001>
#map = affine_map<(d0, d1) -> (0)>
module attributes {stable_mosaic.version = 14 : i64} {
  func.func @gather_kernel(%arg0: i32, %arg1: i32, %arg2: memref<20000xf32, #tpu.memory_space<hbm>>, %arg3: memref<640000xi32, #tpu.memory_space<hbm>>, %arg4: memref<320000xf32, #tpu.memory_space<hbm>>, %arg5: memref<20000xi32, #tpu.memory_space<vmem>>, %arg6: memref<20000xi32, #tpu.memory_space<vmem>>, %arg7: memref<20000xf32, #tpu.memory_space<vmem>>, %arg8: memref<20000xf32, #tpu.memory_space<vmem>>, %arg9: memref<!tpu.dma_semaphore, #tpu.memory_space<semaphore_mem>>, %arg10: memref<!tpu.dma_semaphore, #tpu.memory_space<semaphore_mem>>, %arg11: memref<!tpu.dma_semaphore, #tpu.memory_space<semaphore_mem>>) attributes {dimension_semantics = [#tpu.dimension_semantics<core_parallel>, #tpu.dimension_semantics<subcore_parallel>], iteration_bounds = array<i64: 1, 16>, scalar_prefetch = 0 : i64, scratch_operands = 7 : i64, tpu.core_type = #tpu.core_type<sc_vector_subcore>, window_params = [{transform_indices = #map}, {transform_indices = #map}, {transform_indices = #map}]} {
    %mul3A = arith.constant 1 : i32
    %mul3A_0 = arith.muli %arg1, %mul3A : i32
    %add3A = arith.addi %mul3A_0, %arg0 : i32
    %mul3A_1 = arith.constant 20000 : i32
    %mul3A_2 = arith.muli %add3A, %mul3A_1 : i32
    %dma_start3A = tpu.memref_slice %arg3[%mul3A_2] : memref<640000xi32, #tpu.memory_space<hbm>> -> memref<20000xi32, #tpu.memory_space<hbm>>
    %dma_start3A_3 = tpu.memref_slice %arg3[%mul3A_2] : memref<640000xi32, #tpu.memory_space<hbm>> -> memref<20000xi32, #tpu.memory_space<hbm>>
    tpu.enqueue_dma source(%dma_start3A_3 : memref<20000xi32, #tpu.memory_space<hbm>>) target(%arg5 : memref<20000xi32, #tpu.memory_space<vmem>>) target_semaphore(%arg9 : memref<!tpu.dma_semaphore, #tpu.memory_space<semaphore_mem>>)
    %add3A_4 = arith.constant 320000 : i32
    %add3A_5 = arith.addi %add3A_4, %mul3A_2 : i32
    %dma_start3A_6 = tpu.memref_slice %arg3[%add3A_5] : memref<640000xi32, #tpu.memory_space<hbm>> -> memref<20000xi32, #tpu.memory_space<hbm>>
    %dma_start3A_7 = tpu.memref_slice %arg3[%add3A_5] : memref<640000xi32, #tpu.memory_space<hbm>> -> memref<20000xi32, #tpu.memory_space<hbm>>
    tpu.enqueue_dma source(%dma_start3A_7 : memref<20000xi32, #tpu.memory_space<hbm>>) target(%arg6 : memref<20000xi32, #tpu.memory_space<vmem>>) target_semaphore(%arg10 : memref<!tpu.dma_semaphore, #tpu.memory_space<semaphore_mem>>)
    tpu.enqueue_dma source(%arg2 : memref<20000xf32, #tpu.memory_space<hbm>>) target(%arg7 : memref<20000xf32, #tpu.memory_space<vmem>>) target_semaphore(%arg11 : memref<!tpu.dma_semaphore, #tpu.memory_space<semaphore_mem>>)
    %dma_wait3A = tpu.memref_slice %arg3[%mul3A_2] : memref<640000xi32, #tpu.memory_space<hbm>> -> memref<20000xi32, #tpu.memory_space<hbm>>
    %dma_wait3A_8 = tpu.memref_slice %arg3[%mul3A_2] : memref<640000xi32, #tpu.memory_space<hbm>> -> memref<20000xi32, #tpu.memory_space<hbm>>
    tpu.wait_dma2 semaphore(%arg9 : memref<!tpu.dma_semaphore, #tpu.memory_space<semaphore_mem>>) src(%dma_wait3A_8 : memref<20000xi32, #tpu.memory_space<hbm>>) dst(%arg5 : memref<20000xi32, #tpu.memory_space<vmem>>)
    %dma_wait3A_9 = tpu.memref_slice %arg3[%add3A_5] : memref<640000xi32, #tpu.memory_space<hbm>> -> memref<20000xi32, #tpu.memory_space<hbm>>
    %dma_wait3A_10 = tpu.memref_slice %arg3[%add3A_5] : memref<640000xi32, #tpu.memory_space<hbm>> -> memref<20000xi32, #tpu.memory_space<hbm>>
    tpu.wait_dma2 semaphore(%arg10 : memref<!tpu.dma_semaphore, #tpu.memory_space<semaphore_mem>>) src(%dma_wait3A_10 : memref<20000xi32, #tpu.memory_space<hbm>>) dst(%arg6 : memref<20000xi32, #tpu.memory_space<vmem>>)
    tpu.wait_dma2 semaphore(%arg11 : memref<!tpu.dma_semaphore, #tpu.memory_space<semaphore_mem>>) src(%arg2 : memref<20000xf32, #tpu.memory_space<hbm>>) dst(%arg7 : memref<20000xf32, #tpu.memory_space<vmem>>)
    %parallel_loop3A = arith.constant 0 : i32
    %parallel_loop3A_11 = arith.constant 20000 : i32
    %parallel_loop3A_12 = arith.constant 16 : i32
    scf.for %parallel_loop3A_13 = %parallel_loop3A to %parallel_loop3A_11 step %parallel_loop3A_12  : i32 {
      %parallel_loop3A_14 = arith.index_cast %parallel_loop3A_13 : i32 to index
      %parallel_loop3A_15 = tpu.vector_load %arg5[%parallel_loop3A_14] {strides = array<i32>} : memref<20000xi32, #tpu.memory_space<vmem>>, vector<16xi32>,
      %parallel_loop3A_16 = arith.index_cast %parallel_loop3A_13 : i32 to index
      %parallel_loop3A_17 = tpu.vector_load %arg6[%parallel_loop3A_16] {strides = array<i32>} : memref<20000xi32, #tpu.memory_space<vmem>>, vector<16xi32>,
      %parallel_loop3A_18 = tpu.vector_load_idx %arg7[%parallel_loop3A_15] : memref<20000xf32, #tpu.memory_space<vmem>>[vector<16xi32>], vector<16xf32>,
      %parallel_loop3A_19 = arith.constant 10000 : i32
      %parallel_loop3A_20 = vector.broadcast %parallel_loop3A_19 : i32 to vector<16xi32>
      %parallel_loop3A_21 = arith.addi %parallel_loop3A_17, %parallel_loop3A_20 : vector<16xi32>
      %parallel_loop3A_22 = tpu.vector_load_idx %arg7[%parallel_loop3A_21] : memref<20000xf32, #tpu.memory_space<vmem>>[vector<16xi32>], vector<16xf32>,
      %parallel_loop3A_23 = arith.addf %parallel_loop3A_18, %parallel_loop3A_22 : vector<16xf32>
      %parallel_loop3A_24 = arith.index_cast %parallel_loop3A_13 : i32 to index
      %parallel_loop3A_25 = tpu.vector_load %arg8[%parallel_loop3A_24] {strides = array<i32>} : memref<20000xf32, #tpu.memory_space<vmem>>, vector<16xf32>,
      tpu.vector_store %arg8[%parallel_loop3A_24], %parallel_loop3A_23 {strides = array<i32>} : memref<20000xf32, #tpu.memory_space<vmem>>, vector<16xf32>,
    } {sc.loop_unroll_factor = 8 : i64, sc.parallel_access}
    "tpu.region"() ({
      %run_scoped3A = tpu.sem_alloc : memref<!tpu.dma_semaphore, #tpu.memory_space<semaphore_mem>>
      %dma_start3A_13 = tpu.memref_slice %arg4[%mul3A_2] : memref<320000xf32, #tpu.memory_space<hbm>> -> memref<20000xf32, #tpu.memory_space<hbm>>
      %dma_start3A_14 = tpu.memref_slice %arg4[%mul3A_2] : memref<320000xf32, #tpu.memory_space<hbm>> -> memref<20000xf32, #tpu.memory_space<hbm>>
      tpu.enqueue_dma source(%arg8 : memref<20000xf32, #tpu.memory_space<vmem>>) target(%dma_start3A_14 : memref<20000xf32, #tpu.memory_space<hbm>>) target_semaphore(%run_scoped3A : memref<!tpu.dma_semaphore, #tpu.memory_space<semaphore_mem>>)
      %dma_wait3A_15 = tpu.memref_slice %arg4[%mul3A_2] : memref<320000xf32, #tpu.memory_space<hbm>> -> memref<20000xf32, #tpu.memory_space<hbm>>
      %dma_wait3A_16 = tpu.memref_slice %arg4[%mul3A_2] : memref<320000xf32, #tpu.memory_space<hbm>> -> memref<20000xf32, #tpu.memory_space<hbm>>
      tpu.wait_dma2 semaphore(%run_scoped3A : memref<!tpu.dma_semaphore, #tpu.memory_space<semaphore_mem>>) src(%arg8 : memref<20000xf32, #tpu.memory_space<vmem>>) dst(%dma_wait3A_16 : memref<20000xf32, #tpu.memory_space<hbm>>)
      tpu.yield
    }) : () -> ()
    return
  }
}

module attributes {stable_mosaic.version = 14 : i64} {
  func.func @_node_body(%arg0: memref<10000x128xf32, #tpu.memory_space<vmem>>, %arg1: memref<1x384xf32, #tpu.memory_space<vmem>>, %arg2: memref<2x10000xf32, #tpu.memory_space<vmem>>) attributes {dimension_semantics = [], scalar_prefetch = 0 : i64, scratch_operands = 0 : i64, tpu.core_type = #tpu.core_type<tc>} {
    %get3A = arith.constant 0 : index
    %get3A_0 = arith.constant 0 : index
    %get3A_1 = vector.load %arg1[%get3A, %get3A_0] : memref<1x384xf32, #tpu.memory_space<vmem>>, vector<1x128xf32>
    %get3A_2 = arith.constant 0 : index
    %get3A_3 = arith.constant 0 : index
    %get3A_4 = vector.load %arg0[%get3A_2, %get3A_3] : memref<10000x128xf32, #tpu.memory_space<vmem>>, vector<10000x128xf32>
    %dot_general3A = arith.constant dense<0.000000e+00> : vector<1x10000xf32>
    %dot_general3A_5 = tpu.matmul %get3A_1, %get3A_4, %dot_general3A {dimension_numbers = #tpu.dot_dimension_numbers<[1], [1], [0], [0], [0, 0, 1, 0], [], []>, transpose_lhs_hint = false} : vector<1x128xf32>, vector<10000x128xf32>, vector<1x10000xf32> -> vector<1x10000xf32>
    %swap3A = arith.constant 0 : index
    %swap3A_6 = arith.constant 0 : index
    %swap3A_7 = vector.load %arg2[%swap3A, %swap3A_6] : memref<2x10000xf32, #tpu.memory_space<vmem>>, vector<1x10000xf32>
    tpu.vector_store %arg2[%swap3A, %swap3A_6], %dot_general3A_5 {strides = array<i32>} : memref<2x10000xf32, #tpu.memory_space<vmem>>, vector<1x10000xf32>,
    %get3A_8 = arith.constant 0 : index
    %get3A_9 = arith.constant 128 : index
    %get3A_10 = vector.load %arg1[%get3A_8, %get3A_9] : memref<1x384xf32, #tpu.memory_space<vmem>>, vector<1x128xf32>
    %get3A_11 = arith.constant 0 : index
    %get3A_12 = arith.constant 0 : index
    %get3A_13 = vector.load %arg0[%get3A_11, %get3A_12] : memref<10000x128xf32, #tpu.memory_space<vmem>>, vector<10000x128xf32>
    %dot_general3A_14 = arith.constant dense<0.000000e+00> : vector<1x10000xf32>
    %dot_general3A_15 = tpu.matmul %get3A_10, %get3A_13, %dot_general3A_14 {dimension_numbers = #tpu.dot_dimension_numbers<[1], [1], [0], [0], [0, 0, 1, 0], [], []>, transpose_lhs_hint = false} : vector<1x128xf32>, vector<10000x128xf32>, vector<1x10000xf32> -> vector<1x10000xf32>
    %swap3A_16 = arith.constant 1 : index
    %swap3A_17 = arith.constant 0 : index
    %swap3A_18 = vector.load %arg2[%swap3A_16, %swap3A_17] : memref<2x10000xf32, #tpu.memory_space<vmem>>, vector<1x10000xf32>
    tpu.vector_store %arg2[%swap3A_16, %swap3A_17], %dot_general3A_15 {strides = array<i32>} : memref<2x10000xf32, #tpu.memory_space<vmem>>, vector<1x10000xf32>,
    return
  }
}

module attributes {stable_mosaic.version = 14 : i64} {
  func.func @_edge_body(%arg0: i32, %arg1: memref<32000x128xf32, #tpu.memory_space<vmem>>, %arg2: memref<1x384xf32, #tpu.memory_space<vmem>>, %arg3: memref<1xf32, #tpu.memory_space<smem>>, %arg4: memref<1x1x32000xf32, #tpu.memory_space<vmem>>) attributes {dimension_semantics = [#tpu.dimension_semantics<arbitrary>], iteration_bounds = array<i64: 10>, scalar_prefetch = 0 : i64, scratch_operands = 0 : i64, tpu.core_type = #tpu.core_type<tc>, window_params = [{transform_indices = @transform_0, window_bounds = array<i64: 32000, 128>}, {pipeline_mode = #tpu.pipeline_mode<synchronous>, transform_indices = @transform_1, window_bounds = array<i64: 1, 384>}, {transform_indices = @transform_2, window_bounds = array<i64: 1>}, {transform_indices = @transform_3, window_bounds = array<i64: 1, 1, 32000>}]} {
    %get3A = arith.constant 0 : index
    %get3A_0 = arith.constant 256 : index
    %get3A_1 = vector.load %arg2[%get3A, %get3A_0] : memref<1x384xf32, #tpu.memory_space<vmem>>, vector<1x128xf32>
    %get3A_2 = arith.constant 0 : index
    %get3A_3 = arith.constant 0 : index
    %get3A_4 = vector.load %arg1[%get3A_2, %get3A_3] : memref<32000x128xf32, #tpu.memory_space<vmem>>, vector<32000x128xf32>
    %dot_general3A = arith.constant dense<0.000000e+00> : vector<1x32000xf32>
    %dot_general3A_5 = tpu.matmul %get3A_1, %get3A_4, %dot_general3A {dimension_numbers = #tpu.dot_dimension_numbers<[1], [1], [0], [0], [0, 0, 1, 0], [], []>, transpose_lhs_hint = false} : vector<1x128xf32>, vector<32000x128xf32>, vector<1x32000xf32> -> vector<1x32000xf32>
    %get3A_6 = arith.constant 0 : index
    %get3A_7 = memref.load %arg3[%get3A_6] : memref<1xf32, #tpu.memory_space<smem>>
    %add3A = vector.broadcast %get3A_7 : f32 to vector<1x32000xf32>
    %add3A_8 = arith.addf %dot_general3A_5, %add3A : vector<1x32000xf32>
    %swap3A = arith.constant 0 : index
    %swap3A_9 = arith.constant 0 : index
    %swap3A_10 = arith.constant 0 : index
    %swap3A_11 = vector.load %arg4[%swap3A, %swap3A_9, %swap3A_10] : memref<1x1x32000xf32, #tpu.memory_space<vmem>>, vector<1x1x32000xf32>
    %swap3A_12 = vector.shape_cast %swap3A_11 : vector<1x1x32000xf32> to vector<1x32000xf32>
    %swap3A_13 = vector.shape_cast %add3A_8 : vector<1x32000xf32> to vector<1x1x32000xf32>
    tpu.vector_store %arg4[%swap3A, %swap3A_9, %swap3A_10], %swap3A_13 {strides = array<i32>} : memref<1x1x32000xf32, #tpu.memory_space<vmem>>, vector<1x1x32000xf32>,
    return
  }
  func.func @transform_0(%arg0: i32) -> (i32, i32) {
    %c0_i32 = arith.constant 0 : i32
    %c0_i32_0 = arith.constant 0 : i32
    return %arg0, %c0_i32 : i32, i32
  }
  func.func @transform_1(%arg0: i32) -> (i32, i32) {
    %c0_i32 = arith.constant 0 : i32
    %c0_i32_0 = arith.constant 0 : i32
    %c0_i32_1 = arith.constant 0 : i32
    return %c0_i32, %c0_i32_0 : i32, i32
  }
  func.func @transform_2(%arg0: i32) -> i32 {
    %c0_i32 = arith.constant 0 : i32
    %c0_i32_0 = arith.constant 0 : i32
    return %c0_i32 : i32
  }
  func.func @transform_3(%arg0: i32) -> (i32, i32, i32) {
    %c0_i32 = arith.constant 0 : i32
    %c0_i32_0 = arith.constant 0 : i32
    %c0_i32_1 = arith.constant 0 : i32
    return %arg0, %c0_i32, %c0_i32_0 : i32, i32, i32
  }
}

module attributes {stable_mosaic.version = 14 : i64} {
  func.func @_add_body(%arg0: i32, %arg1: memref<1x1x32000xf32, #tpu.memory_space<vmem>>, %arg2: memref<1x1x32000xf32, #tpu.memory_space<vmem>>, %arg3: memref<1x1x32000xf32, #tpu.memory_space<vmem>>) attributes {dimension_semantics = [#tpu.dimension_semantics<arbitrary>], iteration_bounds = array<i64: 10>, scalar_prefetch = 0 : i64, scratch_operands = 0 : i64, tpu.core_type = #tpu.core_type<tc>, window_params = [{transform_indices = @transform_0, window_bounds = array<i64: 1, 1, 32000>}, {transform_indices = @transform_1, window_bounds = array<i64: 1, 1, 32000>}, {transform_indices = @transform_2, window_bounds = array<i64: 1, 1, 32000>}]} {
    %get3A = arith.constant 0 : index
    %get3A_0 = arith.constant 0 : index
    %get3A_1 = arith.constant 0 : index
    %get3A_2 = vector.load %arg1[%get3A, %get3A_0, %get3A_1] : memref<1x1x32000xf32, #tpu.memory_space<vmem>>, vector<1x1x32000xf32>
    %get3A_3 = arith.constant 0 : index
    %get3A_4 = arith.constant 0 : index
    %get3A_5 = arith.constant 0 : index
    %get3A_6 = vector.load %arg2[%get3A_3, %get3A_4, %get3A_5] : memref<1x1x32000xf32, #tpu.memory_space<vmem>>, vector<1x1x32000xf32>
    %add3A = arith.addf %get3A_2, %get3A_6 : vector<1x1x32000xf32>
    %swap3A = arith.constant 0 : index
    %swap3A_7 = arith.constant 0 : index
    %swap3A_8 = arith.constant 0 : index
    %swap3A_9 = vector.load %arg3[%swap3A, %swap3A_7, %swap3A_8] : memref<1x1x32000xf32, #tpu.memory_space<vmem>>, vector<1x1x32000xf32>
    tpu.vector_store %arg3[%swap3A, %swap3A_7, %swap3A_8], %add3A {strides = array<i32>} : memref<1x1x32000xf32, #tpu.memory_space<vmem>>, vector<1x1x32000xf32>,
    return
  }
  func.func @transform_0(%arg0: i32) -> (i32, i32, i32) {
    %c0_i32 = arith.constant 0 : i32
    %c0_i32_0 = arith.constant 0 : i32
    %c0_i32_1 = arith.constant 0 : i32
    return %arg0, %c0_i32, %c0_i32_0 : i32, i32, i32
  }
  func.func @transform_1(%arg0: i32) -> (i32, i32, i32) {
    %c0_i32 = arith.constant 0 : i32
    %c0_i32_0 = arith.constant 0 : i32
    %c0_i32_1 = arith.constant 0 : i32
    return %arg0, %c0_i32, %c0_i32_0 : i32, i32, i32
  }
  func.func @transform_2(%arg0: i32) -> (i32, i32, i32) {
    %c0_i32 = arith.constant 0 : i32
    %c0_i32_0 = arith.constant 0 : i32
    %c0_i32_1 = arith.constant 0 : i32
    return %arg0, %c0_i32, %c0_i32_0 : i32, i32, i32
  }
}

</mosaic_0001>

<sc_bundles>
// kernel: kernel.6.cloned.1.call-start
scs
__scs_entry_jumppad:
0x0: {  	(pc) =	sbr.rel $0x88, $3  }
0x1: {  	(tag) =	ssettag $0x0;
	lr =	simm.s32 $0x1  }
0x2: {  	[smem:$0x3F9C] =	sst lr;
	_ =	strace $0xD0000000  }
0x3: {  	_ = 	snop  }
0x4: {  	_ = 	snop  }
0x5: {  	_ = 	snop  }
0x6: {  	_ = 	snop  }
0x7: {  	_ = 	snop  }
__scs_overlays_trampoline_lowered:
0x8: {  	[smem:$0x3FAB] =	sst s0  }
0x9: {  	[smem:$0x3FAC] =	sst s1  }
0xa: {  	[smem:$0x3FAD] =	sst s2  }
0xb: {  	[smem:$0x3FAE] =	sst s3  }
0xc: {  	[smem:$0x3FAF] =	sst s4  }
0xd: {  	[smem:$0x3FB0] =	sst s5  }
0xe: {  	[smem:$0x3FB1] =	sst s6  }
0xf: {  	[smem:$0x3FB2] =	sst s7  }
0x10: {  	[smem:$0x3FB3] =	sst s8  }
0x11: {  	[smem:$0x3FB4] =	sst s9;
	s0 =	simm.s32 @!p0 $0x0  }
0x12: {  	s1 =	sld [smem:$0x3F9A];
	s0 =	simm.s32 @p0 $0x1  }
0x13: {  	[smem:$0x3FB5] =	sst s0;
	s0 =	simm.s32 @!p1 $0x0  }
0x14: {  	s2 =	sld [smem:$0x3F99];
	s0 =	simm.s32 @p1 $0x1  }
0x15: {  	[smem:$0x3FB6] =	sst s0;
	s0 =	simm.s32 @!p2 $0x0  }
0x16: {  	s3 =	sld [smem:$0x3FDB];
	s0 =	simm.s32 @p2 $0x1  }
0x17: {  	s4 =	simm.s32 $0x1BF5;
	[smem:$0x3FB8] =	sst s0  }
0x18: {  	s0 =	sld [smem:$0x3F9B];
	_ =	swait.ge [sflag:s4], $0x0  }
0x19: {  	s7 =	sld [smem:$0x3F9C]  }
0x1a: {  	s8 =	sadd.s32 $0xFFFFE003, lr  }
0x1b: {  	s9 =	sadd.s32 $0xFFFFFEF7, lr;
	s5 =	simm.s32 $0xFFFFFFFF;
	p2 =	slt.u32 s8, $0xFFFFF086  }
0x1c: {  	p1 =	slt.u32 s9, $0xF7A;
	s5 =	simm.s32 @!p2 $0x0  }
0x1d: {  	s5 =	simm.s32 @p1 $0x1;
	p0 =	seq.s32 s7, s2  }
0x1e: {  	s7 =	smul.u32 @!p0 $0xF7A, s2;
	p2 =	seq.s32 @!p0 s5, $0x0  }
0x1f: {  	s9 =	smul.u32 $0xF7A, s1;
	s8 =	simm.s32 @!p0 $0x1BF5;
	p2 =	por !p2, p0  }
0x20: {  	[sflag:s8] =	ssyncset.s32 @!p0 $0xFFFFF086;
	s6 =	sadd.s32 @!p0 s3, s7;
	s7 =	simm.s32 @!p0 $0x108  }
0x21: {  	s3 =	sadd.s32 s3, s9;
	s6 =	sadd.s32 @!p0 $0x88, s6;
	s7 =	simm.s32 @p2 $0x1082  }
0x22: {  	[simem:s7], [sflag:s8] =	dma.local @!p0 [hbm:s6], $0xF7A  }
0x23: {  	s9 =	sor.u32 $0xD0000000, s2;
	s6 =	simm.s32 $0x108;
	_ =	swait.ge @!p0 [sflag:s8], $0x0  }
0x24: {  	s3 =	sadd.s32 $0x88, s3;
	s6 =	simm.s32 @!p1 $0x1082;
	[sflag:s4] =	ssyncset.s32 $0xFFFFF086  }
0x25: {  	[simem:s6], [sflag:s4] =	dma.local [hbm:s3], $0xF7A  }
0x26: {  	[smem:$0x3F9C] =	sst s1;
	(tag) =	ssettag s2;
	_ =	strace s9  }
0x27: {  	s1 =	sld [smem:$0x3FAC]  }
0x28: {  	s2 =	sld [smem:$0x3FAD]  }
0x29: {  	s4 =	sld [smem:$0x3FAF]  }
0x2a: {  	p0 =	seq.s32 s5, $0x0;
	s5 =	sld [smem:$0x3FB0]  }
0x2b: {  	s6 =	sld [smem:$0x3FB1]  }
0x2c: {  	s7 =	sld [smem:$0x3FB2]  }
0x2d: {  	s3 =	simm.s32 $0x108;
	s8 =	sld [smem:$0x3FB3]  }
0x2e: {  	s3 =	simm.s32 @!p0 $0x1082;
	s9 =	sld [smem:$0x3FB4]  }
0x2f: {  	lr =	sadd.s32 s0, s3;
	s0 =	sld [smem:$0x3FAB]  }
0x30: {  	s3 =	sld [smem:$0x3FAE]  }
0x31: {  	[smem:$0x3FB7] =	sst s10  }
0x32: {  	s10 =	sld [smem:$0x3FB5];
	_ =	sdelay $0x3  }
0x33: {  	p0 =	seq.s32 s10, $0x1;
	s10 =	sld [smem:$0x3FB7];
	_ =	sdelay $0x3  }
0x34: {  	[smem:$0x3FB7] =	sst s10  }
0x35: {  	s10 =	sld [smem:$0x3FB6];
	_ =	sdelay $0x3  }
0x36: {  	p1 =	seq.s32 s10, $0x1;
	s10 =	sld [smem:$0x3FB7];
	_ =	sdelay $0x3  }
0x37: {  	[smem:$0x3FB7] =	sst s10  }
0x38: {  	s10 =	sld [smem:$0x3FB8]  }
0x39: {  	_ = 	snop;
	(pc) =	sbr.ind lr, $3  }
0x3a: {  	_ = 	snop  }
0x3b: {  	_ = 	snop  }
0x3c: {  	p2 =	seq.s32 s10, $0x1;
	s10 =	sld [smem:$0x3FB7]  }
0x3d: {  	_ =	shalt  }
0x3e: {  	_ =	shalt  }
0x3f: {  	_ =	shalt  }
0x40: {  	_ =	shalt  }
0x41: {  	_ =	shalt  }
0x42: {  	_ =	shalt  }
0x43: {  	_ =	shalt  }
0x44: {  	_ =	shalt  }
0x45: {  	_ =	shalt  }
0x46: {  	_ =	shalt  }
0x47: {  	_ =	shalt  }
0x48: {  	_ =	shalt  }
0x49: {  	_ =	shalt  }
0x4a: {  	_ =	shalt  }
0x4b: {  	_ =	shalt  }
0x4c: {  	_ =	shalt  }
0x4d: {  	_ =	shalt  }
0x4e: {  	_ =	shalt  }
0x4f: {  	_ =	shalt  }
0x50: {  	_ =	shalt  }
0x51: {  	_ =	shalt  }
0x52: {  	_ =	shalt  }
0x53: {  	_ =	shalt  }
0x54: {  	_ =	shalt  }
0x55: {  	_ =	shalt  }
0x56: {  	_ =	shalt  }
0x57: {  	_ =	shalt  }
0x58: {  	_ =	shalt  }
0x59: {  	_ =	shalt  }
0x5a: {  	_ =	shalt  }
0x5b: {  	_ =	shalt  }
0x5c: {  	_ =	shalt  }
0x5d: {  	_ =	shalt  }
0x5e: {  	_ =	shalt  }
0x5f: {  	_ =	shalt  }
0x60: {  	_ =	shalt  }
0x61: {  	_ =	shalt  }
0x62: {  	_ =	shalt  }
0x63: {  	_ =	shalt  }
0x64: {  	_ =	shalt  }
0x65: {  	_ =	shalt  }
0x66: {  	_ =	shalt  }
0x67: {  	_ =	shalt  }
0x68: {  	_ =	shalt  }
0x69: {  	_ =	shalt  }
0x6a: {  	_ =	shalt  }
0x6b: {  	_ =	shalt  }
0x6c: {  	_ =	shalt  }
0x6d: {  	_ =	shalt  }
0x6e: {  	_ =	shalt  }
0x6f: {  	_ =	shalt  }
0x70: {  	_ =	shalt  }
0x71: {  	_ =	shalt  }
0x72: {  	_ =	shalt  }
0x73: {  	_ =	shalt  }
0x74: {  	_ =	shalt  }
0x75: {  	_ =	shalt  }
0x76: {  	_ =	shalt  }
0x77: {  	_ =	shalt  }
0x78: {  	_ =	shalt  }
0x79: {  	_ =	shalt  }
0x7a: {  	_ =	shalt  }
0x7b: {  	_ =	shalt  }
0x7c: {  	_ =	shalt  }
0x7d: {  	_ =	shalt  }
0x7e: {  	_ =	shalt  }
0x7f: {  	_ =	shalt  }
0x80: {  	_ =	shalt  }
0x81: {  	_ =	shalt  }
0x82: {  	_ =	shalt  }
0x83: {  	_ =	shalt  }
0x84: {  	_ =	shalt  }
0x85: {  	_ =	shalt  }
0x86: {  	_ =	shalt  }
0x87: {  	_ =	shalt  }
.Lfunc_end0:
.L_simem_size_0:
called_computation_lowered:
.L_overlay_start_0:
0x88: {  	s0 =	sld [smem:$0x3FD9]  }
0x89: {  	s1 =	sld [smem:$0x3FFE];
	_ =	sdelay $0x3  }
0x8a: {  	s0 =	sadd.s32 s1, s0  }
0x8b: {  	[smem:$0x3FC3] =	sst s0  }
0x8c: {  	_ = 	snop  }
0x8d: {  	s0 =	sld [smem:$0x3FD0];
	(tm) =	ssettm $0x1  }
0x8e: {  	s16 =	sld [smem:$0x3FFB];
	_ =	sdelay $0x3  }
0x8f: {  	_ =	strace s16  }
0x90: {  	s1 =	sld [smem:$0x3FFC];
	_ =	sdelay $0x3  }
0x91: {  	_ =	strace s1  }
0x92: {  	s1 =	sld [smem:$0x3FFD];
	_ =	sdelay $0x3  }
0x93: {  	_ =	strace s1  }
0x94: {  	_ =	strace $0x8FFFFFFF  }
0x95: {  	s17 =	sld [smem:$0x3FDB];
	_ =	sdelay $0x1  }
0x96: {  	s2 =	simm.s32 $_scs_section_size  }
0x97: {  	s3 =	simm.s32 $_size__tile_overlayer_lowered;
	s4 =	simm.s32 $_tile_overlayer_lowered  }
0x98: {  	s20 =	simm.s32 $0x1BFF;
	s19 =	sshll.u32 s4, $0x1;
	s1 =	sadd.s32 s2, s17  }
0x99: {  	s5 =	simm.s32 $0x0;
	s18 =	sshll.u32 s3, $0x1;
	s3 =	sadd.s32 s19, s1  }
0x9a: {  	[timem:s5], [sflag:s20] =	dma.local [hbm:s3], s18  }
0x9b: {  	_ =	swait.ge [sflag:s20], s18  }
0x9c: {  	s2 =	ssub.s32 $0x0, s18;
	[sflag:s20] =	ssyncset.done $0x0  }
0x9d: {  	[sflag:s20] =	ssyncadd.s32 s2;
	_ =	sdelay $0x1  }
0x9e: {  	s21 =	simm.s32 $0x1B8B  }
0x9f: {  	_ =	swait.ge [sflag:s21], $0x1  }
0xa0: {  	[sflag:s21] =	ssyncset.done $0x0  }
0xa1: {  	s23 =	simm.s32 $0x1B8E;
	s22 =	sld [smem:$0x3FFE];
	[sflag:s21] =	ssyncadd.s32 $0xFFFFFFFF  }
0xa2: {  	s24 =	simm.s32 $execute0_lowered;
	[smem:$0x3FD2] =	sst s23  }
0xa3: {  	s3 =	sshll.u32 s24, $0x1;
	_ =	strace $0x80000046;
	[dreg:$0x1] =	wrdreg $0xFFFFFFFF  }
0xa4: {  	s25 =	simm.s32 $_size_execute0_lowered;
	s1 =	sadd.s32 s1, s3;
	[dreg:$0x0] =	wrdreg $0x0  }
0xa5: {  	s3 =	sshll.u32 s25, $0x1;
	[dreg:$0x2] =	wrdreg s1  }
0xa6: {  	[dreg:$0x3] =	wrdreg s3  }
0xa7: {  	[dreg:$0x4] =	wrdreg $0xC0  }
0xa8: {  	_ =	task [dreg:s5], $0x5FFFF  }
0xa9: {  	[dreg:$0x1] =	wrdreg $0xFFFFFFFF  }
0xaa: {  	[dreg:$0x0] =	wrdreg $0x60  }
0xab: {  	[dreg:$0x2] =	wrdreg s0  }
0xac: {  	[dreg:$0x3] =	wrdreg s22  }
0xad: {  	[dreg:$0x4] =	wrdreg $0x9  }
0xae: {  	_ =	task.clear_ibuf [dreg:s5], $0x5FFFF;
	_ =	strace $0x90000046  }
0xaf: {  	s26 =	simm.s32 $0x9;
	_ =	strace $0x80000048  }
0xb0: {  	_ =	swait.ge [sflag:s26], $0x1  }
0xb1: {  	[sflag:s26] =	ssyncadd.s32 $0xFFFFFFFF  }
0xb2: {  	_ =	strace $0x90000048  }
0xb3: {  	_ =	sfence  }
0xb4: {  	s28 =	sld [smem:$0x0];
	_ =	sdelay $0x1  }
0xb5: {  	s29 =	srdreg.scid  }
0xb6: {  	s30 =	sshll.u32 s29, $0xD;
	s31 =	sshrl.u32 s29, $0x2  }
0xb7: {  	s2 =	sand.u32 $0x4000, s30;
	s1 =	sand.u32 $0x1, s29;
	s0 =	sadd.s32 s31, s28  }
0xb8: {  	s1 =	sor.u32 s2, s1;
	s0 =	sshll.u32 s0, $0x11  }
0xb9: {  	s0 =	sor.u32 s0, s1  }
0xba: {  	s0 =	sadd.s32 $0x8F2B, s0  }
0xbb: {  	[sflag:s0] =	ssyncadd.remote.s32 $0x1  }
0xbc: {  	_ =	sfence.sel $0xFFFF  }
0xbd: {  	[dreg:$0x0] =	wrdreg $0xFFFFFFFF;
	(pc) =	sbr.abs _section_cstart, $3  }
0xbe: {  	[dreg:$0x1] =	wrdreg $0xFFFFFFFF  }
0xbf: {  	_ =	task.clear_ibuf [dreg:s5], $0x2FFFF;
	_ =	strace $0x9FFFFFFF  }
0xc0: {  	(tm) =	ssettm $0x7FFFFFFF  }
0xc1: {  	_ =	shalt  }
tec
execute0_lowered:
.L_overlay_start_1:
0x0: {  	(tag) =	ssettag $0x1  }
0x1: {  	s0 =	stileid.u32  }
0x2: {  	s2 =	smul.u32 $0x4E20, s0  }
0x3: {  	s4 =	rddreg [dreg:$0x0]  }
0x4: {  	s5 =	rddreg [dreg:$0x1];
	s6 =	simm.s32 $0x0;
	s2 =	sshrl.u32 s2, $0x3  }
0x5: {  	[smem:$0x7FF] =	sst s6;
	s3 =	sadd.s32 s2, s5  }
0x6: {  	s1 =	rddreg [dreg:$0x2];
	_ =	strace $0x80000047;
	s7 =	sadd.s32 $0x800, s3  }
0x7: {  	[tilespmem:s6], [sflag:$0x1] =	stream.linear.gather [hbm4b:s7+s6], $0x4E20, $0x38;
	[tilespmem:$0x13A00] =	vst v63  }
0x8: {  	s26 =	simm.s32 $0x4E80;
	s3 =	sadd.s32 $0xA440, s3  }
0x9: {  	[tilespmem:s26], [sflag:$0x2] =	stream.linear.gather [hbm4b:s3+s6], $0x4E20, $0x38;
	[tilespmem:$0x13A00] =	vst v63  }
0xa: {  	s28 =	simm.s32 $0x1;
	s3 =	simm.s32 $0x9D00  }
0xb: {  	[tilespmem:s3], [sflag:$0x3] =	stream.linear.gather [hbm4b:s4+s6], $0x4E80, $0x38;
	[tilespmem:$0x13A00] =	vst v63  }
0xc: {  	_ =	swait.ge [sflag:s28], $0x4E20  }
0xd: {  	[sflag:s28] =	ssyncset.done $0x0  }
0xe: {  	s29 =	simm.s32 $0x2;
	[sflag:s28] =	ssyncadd.s32 $0xFFFFB1E0  }
0xf: {  	_ =	swait.ge [sflag:s29], $0x4E20  }
0x10: {  	[sflag:s29] =	ssyncset.done $0x0  }
0x11: {  	s30 =	simm.s32 $0x3;
	[sflag:s29] =	ssyncadd.s32 $0xFFFFB1E0  }
0x12: {  	_ =	swait.ge [sflag:s30], $0x4E80  }
0x13: {  	[sflag:s30] =	ssyncset.done $0x0  }
0x14: {  	s31 =	simm.s32 $0x4EC0;
	[sflag:s30] =	ssyncadd.s32 $0xFFFFB180  }
0x15: {  	s4 =	simm.s32 $0x40;
	v0 =	vld [tilespmem:s31+$0x30]  }
0x16: {  	v1 =	vld [tilespmem:s4+$0x30]  }
0x17: {  	v2 =	vld [tilespmem:s31+$0xFFFFFFC0]  }
0x18: {  	v3 =	vld [tilespmem:s31+$0xFFFFFFD0]  }
0x19: {  	v4 =	vld [tilespmem:s31+$0xFFFFFFE0]  }
0x1a: {  	v5 =	vld [tilespmem:s31+$0xFFFFFFF0]  }
0x1b: {  	v6 =	vld [tilespmem:s31+$0x0]  }
0x1c: {  	v7 =	vld [tilespmem:s31+$0x10]  }
0x1d: {  	v8 =	vld [tilespmem:s31+$0x20]  }
0x1e: {  	v10 =	vld [tilespmem:s4+$0xFFFFFFE0]  }
0x1f: {  	v9 =	vld [tilespmem:s4+$0xFFFFFFD0]  }
0x20: {  	v14 =	vld [tilespmem:s4+$0xFFFFFFF0]  }
0x21: {  	v15 =	vld [tilespmem:s4+$0x0]  }
0x22: {  	v11 =	vld [tilespmem:s4+$0xFFFFFFC0];
	v0 =	vadd.s32 $0x2710, v0  }
0x23: {  	v12 =	vld.idx.msk [tilespmem:v1+s3+$0x0], $0xffff;
	v1 =	vadd.s32 $0x2710, v3  }
0x24: {  	v16 =	vld [tilespmem:s4+$0x10];
	v3 =	vadd.s32 $0x2710, v5  }
0x25: {  	v17 =	vld [tilespmem:s4+$0x20];
	v7 =	vadd.s32 $0x2710, v7  }
0x26: {  	v10 =	vld.idx.msk [tilespmem:v10+s3+$0x0], $0xffff  }
0x27: {  	v13 =	vld.idx.msk [tilespmem:v0+s3+$0x0], $0xffff  }
0x28: {  	v5 =	vld.idx.msk [tilespmem:v1+s3+$0x0], $0xffff  }
0x29: {  	v0 =	vadd.s32 $0x2710, v2;
	v3 =	vld.idx.msk [tilespmem:v3+s3+$0x0], $0xffff  }
0x2a: {  	v2 =	vadd.s32 $0x2710, v4;
	v1 =	vld.idx.msk [tilespmem:v7+s3+$0x0], $0xffff  }
0x2b: {  	v6 =	vadd.s32 $0x2710, v6;
	v7 =	vld.idx.msk [tilespmem:v11+s3+$0x0], $0xffff  }
0x2c: {  	v11 =	vld.idx.msk [tilespmem:v9+s3+$0x0], $0xffff  }
0x2d: {  	v9 =	vld.idx.msk [tilespmem:v14+s3+$0x0], $0xffff  }
0x2e: {  	v18 =	vld.idx.msk [tilespmem:v0+s3+$0x0], $0xffff;
	v0 =	vadd.s32 $0x2710, v8  }
0x2f: {  	v4 =	vld.idx.msk [tilespmem:v2+s3+$0x0], $0xffff  }
0x30: {  	v2 =	vld.idx.msk [tilespmem:v6+s3+$0x0], $0xffff  }
0x31: {  	v8 =	vld.idx.msk [tilespmem:v15+s3+$0x0], $0xffff  }
0x32: {  	v12 =	vadd.f32 v13, v12;
	v6 =	vld.idx.msk [tilespmem:v16+s3+$0x0], $0xffff  }
0x33: {  	s6 =	simm.s32 $0xEBC0;
	v0 =	vld.idx.msk [tilespmem:v0+s3+$0x0], $0xffff  }
0x34: {  	s8 =	simm.s32 $0x4F40;
	s5 =	sadd.s32 $0x14200, s5;
	s7 =	simm.s32 $0x0;
	[tilespmem:s6+$0x30] =	vst v12;
	v12 =	vadd.f32 v18, v7;
	v7 =	vld.idx.msk [tilespmem:v17+s3+$0x0], $0xffff  }
.LBB2_1:
0x35: {  	v13 =	vld [tilespmem:s8+$0x30];
	s7 =	sadd.s32 $0x80, s7;
	v5 =	vadd.f32 v5, v11;
	s4 =	sadd.s32 $0x80, s4  }
0x36: {  	v4 =	vadd.f32 v4, v10;
	v11 =	vld [tilespmem:s4+$0x30];
	p0 =	slt.u32 s7, $0x4D80;
	[tilespmem:s6+$0xFFFFFFC0] =	vst v12  }
0x37: {  	v3 =	vadd.f32 v3, v9;
	v10 =	vld [tilespmem:s8+$0xFFFFFFC0];
	[tilespmem:s6+$0xFFFFFFD0] =	vst v5  }
0x38: {  	v2 =	vadd.f32 v2, v8;
	v5 =	vld [tilespmem:s8+$0xFFFFFFD0];
	[tilespmem:s6+$0xFFFFFFE0] =	vst v4  }
0x39: {  	v1 =	vadd.f32 v1, v6;
	v4 =	vld [tilespmem:s8+$0xFFFFFFE0];
	[tilespmem:s6+$0xFFFFFFF0] =	vst v3  }
0x3a: {  	v0 =	vadd.f32 v0, v7;
	v3 =	vld [tilespmem:s8+$0xFFFFFFF0];
	v6 =	vadd.s32 $0x2710, v13;
	[tilespmem:s6+$0x0] =	vst v2  }
0x3b: {  	v2 =	vld [tilespmem:s8+$0x0];
	[tilespmem:s6+$0x10] =	vst v1  }
0x3c: {  	v1 =	vadd.s32 $0x2710, v10;
	v7 =	vld [tilespmem:s8+$0x10];
	[tilespmem:s6+$0x20] =	vst v0  }
0x3d: {  	v0 =	vadd.s32 $0x2710, v5;
	v5 =	vld [tilespmem:s8+$0x20]  }
0x3e: {  	v4 =	vadd.s32 $0x2710, v4;
	v8 =	vld.idx.msk [tilespmem:v11+s3+$0x0], $0xffff  }
0x3f: {  	v3 =	vadd.s32 $0x2710, v3;
	v6 =	vld.idx.msk [tilespmem:v6+s3+$0x0], $0xffff  }
0x40: {  	v9 =	vld [tilespmem:s4+$0xFFFFFFD0];
	v2 =	vadd.s32 $0x2710, v2  }
0x41: {  	v10 =	vld [tilespmem:s4+$0xFFFFFFE0];
	v7 =	vadd.s32 $0x2710, v7  }
0x42: {  	v12 =	vld [tilespmem:s4+$0xFFFFFFF0];
	v11 =	vadd.s32 $0x2710, v5  }
0x43: {  	v13 =	vld [tilespmem:s4+$0x0]  }
0x44: {  	v14 =	vld [tilespmem:s4+$0x10]  }
0x45: {  	v5 =	vadd.f32 v6, v8;
	v15 =	vld [tilespmem:s4+$0x20]  }
0x46: {  	s6 =	sadd.s32 $0x80, s6;
	v6 =	vld [tilespmem:s4+$0xFFFFFFC0]  }
0x47: {  	v16 =	vld.idx.msk [tilespmem:v1+s3+$0x0], $0xffff;
	[tilespmem:s6+$0x30] =	vst v5  }
0x48: {  	v5 =	vld.idx.msk [tilespmem:v0+s3+$0x0], $0xffff  }
0x49: {  	v4 =	vld.idx.msk [tilespmem:v4+s3+$0x0], $0xffff  }
0x4a: {  	v3 =	vld.idx.msk [tilespmem:v3+s3+$0x0], $0xffff  }
0x4b: {  	v2 =	vld.idx.msk [tilespmem:v2+s3+$0x0], $0xffff  }
0x4c: {  	v1 =	vld.idx.msk [tilespmem:v7+s3+$0x0], $0xffff  }
0x4d: {  	v0 =	vld.idx.msk [tilespmem:v11+s3+$0x0], $0xffff  }
0x4e: {  	v7 =	vld.idx.msk [tilespmem:v6+s3+$0x0], $0xffff  }
0x4f: {  	v11 =	vld.idx.msk [tilespmem:v9+s3+$0x0], $0xffff  }
.Ltmp0:
0x50: {  	v10 =	vld.idx.msk [tilespmem:v10+s3+$0x0], $0xffff;
	(pc) =	sbr.rel @p0 .LBB2_1-.Ltmp0, $4  }
0x51: {  	v9 =	vld.idx.msk [tilespmem:v12+s3+$0x0], $0xffff  }
0x52: {  	v8 =	vld.idx.msk [tilespmem:v13+s3+$0x0], $0xffff  }
0x53: {  	v6 =	vld.idx.msk [tilespmem:v14+s3+$0x0], $0xffff  }
0x54: {  	s8 =	sadd.s32 $0x80, s8;
	v12 =	vadd.f32 v16, v7;
	v7 =	vld.idx.msk [tilespmem:v15+s3+$0x0], $0xffff  }
0x55: {  	v5 =	vadd.f32 v5, v11  }
0x56: {  	v4 =	vadd.f32 v4, v10;
	[tilespmem:s6+$0xFFFFFFC0] =	vst v12  }
0x57: {  	v3 =	vadd.f32 v3, v9;
	[tilespmem:s6+$0xFFFFFFD0] =	vst v5  }
0x58: {  	[tilespmem:s6+$0xFFFFFFE0] =	vst v4;
	v2 =	vadd.f32 v2, v8  }
0x59: {  	[tilespmem:s6+$0xFFFFFFF0] =	vst v3;
	v1 =	vadd.f32 v1, v6  }
0x5a: {  	[tilespmem:s6+$0x0] =	vst v2;
	v0 =	vadd.f32 v0, v7  }
0x5b: {  	s3 =	simm.s32 $0x4DF0;
	s4 =	simm.s32 $0x13980;
	[tilespmem:s6+$0x10] =	vst v1  }
0x5c: {  	s7 =	simm.s32 $0x4E00;
	s8 =	simm.s32 $0x9D00;
	[tilespmem:s6+$0x20] =	vst v0;
	s6 =	simm.s32 $0x9C80  }
.LBB2_3:
0x5d: {  	v0 =	vld [tilespmem:s6+$0x0]  }
0x5e: {  	v1 =	vld [tilespmem:s7+$0x0];
	_ =	sdelay $0x3  }
0x5f: {  	v0 =	vadd.s32 $0x2710, v0;
	_ =	sdelay $0x3  }
0x60: {  	v1 =	vld.idx.msk [tilespmem:v1+s8+$0x0], $0xffff  }
0x61: {  	v0 =	vld.idx.msk [tilespmem:v0+s8+$0x0], $0xffff  }
0x62: {  	s3 =	sadd.s32 $0x10, s3  }
0x63: {  	p0 =	slt.u32 s3, $0x4E10  }
.Ltmp1:
0x64: {  	_ = 	snop;
	(pc) =	sbr.rel @p0 .LBB2_3-.Ltmp1, $3  }
0x65: {  	_ = 	snop  }
0x66: {  	v0 =	vadd.f32 v0, v1;
	_ =	sdelay $0x1  }
0x67: {  	s6 =	sadd.s32 $0x10, s6;
	s7 =	sadd.s32 $0x10, s7;
	[tilespmem:s4+$0x0] =	vst v0;
	s4 =	sadd.s32 $0x10, s4  }
0x68: {  	s2 =	sadd.s32 s5, s2  }
0x69: {  	s3 =	simm.s32 $0x0;
	s4 =	simm.s32 $0xEB80;
	s31 =	simm.s32 $0x4  }
0x6a: {  	[hbm4b:s2+s3] =	stream.linear.scatter [tilespmem:s4], [sflag:$0x4], $0x4E20, $0x38;
	[tilespmem:$0x13A00] =	vst v63  }
0x6b: {  	_ =	swait.ge [sflag:s31], $0x4E20  }
0x6c: {  	[sflag:s31] =	ssyncset.done $0x0  }
0x6d: {  	[sflag:s31] =	ssyncadd.s32 $0xFFFFB1E0  }
0x6e: {  	_ =	sfence.sel $0x180000  }
0x6f: {  	[bflag:$0x0] =	sbarrier.arrive $0xFFFF  }
0x70: {  	p0 =	sne.s32 s0, $0x0;
	_ =	strace $0x90000047  }
0x71: {  	s0 =	sadd.s32 @!p0 $0x100000, s1;
	[bflag:$0x2] =	sbarrier.arrive $0xFFFF  }
0x72: {  	[sflag:s0] =	ssyncadd.tile.s32 @!p0 $0x1;
	_ =	shalt  }
.Lfunc_end2:
_tile_overlayer_lowered:
.L_overlay_start_2:
0x73: {  	(tag) =	ssettag $0x2  }
0x74: {  	s0 =	rddreg [dreg:$0x0];
	s2 =	stileid.u32  }
0x75: {  	s1 =	rddreg [dreg:$0x1];
	p0 =	sne.s32 s2, $0x0  }
0x76: {  	s3 =	rddreg [dreg:$0x2];
	[bflag:$0x3] =	sbarrier.arrive $0xFFFF;
	s2 =	simm.s32 @!p0 $0x1C04  }
0x77: {  	[timem:s3], [sflag:s2] =	dma.local @!p0 [hbm:s0], s1  }
0x78: {  	s0 =	simm.s32 @!p0 $0x4  }
0x79: {  	_ =	swait.ge @!p0 [sflag:s0], s1  }
0x7a: {  	s1 =	ssub.s32 @!p0 $0x0, s1;
	[sflag:s0] =	ssyncset.done @!p0 $0x0  }
0x7b: {  	[sflag:s0] =	ssyncadd.s32 @!p0 s1  }
0x7c: {  	[bflag:$0x3] =	sbarrier.arrive $0xFFFF  }
0x7d: {  	_ =	shalt  }

</sc_bundles>
